<compile_context>
chip_gen: v7x
topology: tpu7x:2x2x1
jax: 0.10.2.dev20260603
libtpu: 0.0.44.dev20260713+nightly
codegen_flags: <defaults>
</compile_context>

<pallas_src>
import functools

import jax
import jax.numpy as jnp
from jax import lax
from jax.experimental import pallas as pl
from jax.experimental.pallas import tpu as pltpu
from jax.experimental.pallas import tpu_sc as plsc

_N_TABLE = 128
_LANES = 16
_N_SEG = 4


def _sc_lookup(m_total, n_opt, n_cores, chunk):
    mesh = plsc.VectorSubcoreMesh(
        core_axis_name="c", subcore_axis_name="s", num_cores=n_cores
    )

    offs = list(range(0, n_opt - _LANES + 1, _LANES))
    if n_opt % _LANES:
        offs.append(n_opt - _LANES)

    @functools.partial(
        pl.kernel,
        out_type=jax.ShapeDtypeStruct((m_total,), jnp.float32),
        mesh=mesh,
        compiler_params=pltpu.CompilerParams(needs_layout_passes=False),
        scratch_types=[
            pltpu.VMEM((n_opt,), jnp.float32),
            pltpu.VMEM((n_opt,), jnp.int32),
            pltpu.VMEM((_N_TABLE,), jnp.float32),
            pltpu.VMEM((chunk,), jnp.int32),
            pltpu.VMEM((chunk,), jnp.float32),
            pltpu.SemaphoreType.DMA,
        ] + [pltpu.SemaphoreType.DMA] * (2 * _N_SEG),
    )
    def k(opt_hbm, w_hbm, ol_hbm, out_hbm, w_v, ol_v, tab_v, idx_v, out_v,
          sem_tab, *sems):
        sems_in = sems[:_N_SEG]
        sems_out = sems[_N_SEG:]
        wid = lax.axis_index("s") * n_cores + lax.axis_index("c")
        base = wid * chunk
        seg = chunk // _N_SEG

        cps_in = [
            pltpu.async_copy(
                opt_hbm.at[pl.ds(base + q * seg, seg)],
                idx_v.at[pl.ds(q * seg, seg)],
                sems_in[q],
            )
            for q in range(_N_SEG)
        ]
        cp_w = pltpu.async_copy(w_hbm, w_v, sem_tab)
        cp_ol = pltpu.async_copy(ol_hbm, ol_v, sem_tab)
        cp_w.wait()
        cp_ol.wait()

        for off in offs:
            ids = ol_v[pl.ds(off, _LANES)]
            vals = w_v[pl.ds(off, _LANES)]
            plsc.store_scatter(tab_v, [ids], vals)

        cps_out = []
        for q in range(_N_SEG):
            cps_in[q].wait()

            @plsc.parallel_loop(q * seg, (q + 1) * seg, step=_LANES, unroll=8)
            def body(i):
                ids = idx_v[pl.ds(i, _LANES)]
                out_v[pl.ds(i, _LANES)] = plsc.load_gather(tab_v, [ids])

            cps_out.append(
                pltpu.async_copy(
                    out_v.at[pl.ds(q * seg, seg)],
                    out_hbm.at[pl.ds(base + q * seg, seg)],
                    sems_out[q],
                )
            )
        for cp in cps_out:
            cp.wait()

    return k


def kernel(option, weights, option_list):
    m_total = option.size
    n_cores = 1
    n_workers = 16 * n_cores
    chunk = m_total // n_workers
    assert m_total % (n_workers * _N_SEG * _LANES) == 0

    out = _sc_lookup(m_total, option_list.shape[0], n_cores, chunk)(
        option.reshape(-1), weights, option_list
    )
    return out.reshape(option.shape)

# --- scband reference (transcript-rebuilt; emitter-appended) ---
"""Pipeline reference for scband-selective-22462678958166 (READ-ONLY COPY).

The authoritative reference and input builder live on the scoring server;
editing this copy changes nothing except your own understanding.
"""

import jax, jax.numpy as jnp
import numpy as np

N_OPTIONS = 100
BATCH = 16384
FIELDS = 26


def setup_inputs(seed: int = 0) -> dict:
    key = jax.random.key(seed)
    k1, k2 = jax.random.split(key)
    option = jax.random.randint(k1, (BATCH, FIELDS), 0, N_OPTIONS, dtype=jnp.int32)
    # learned parameter: weights of size n = len(option_list); torch init is ones,
    # but we use random values so the lookup is informative
    weights = jax.random.normal(k2, (N_OPTIONS,), dtype=jnp.float32)
    option_list = jnp.arange(N_OPTIONS, dtype=jnp.int32)
    return {"option": option, "weights": weights, "option_list": option_list}


def reference(option, weights, option_list):
    # i = torch.where(option_list.reshape([1,-1]) == option.reshape([-1,1]))[-1]
    M = option.size
    matches = option_list.reshape(1, -1) == option.reshape(-1, 1)  # [M, n]
    # exactly one match per row (option values drawn from option_list),
    # so nonzero col indices appear in row order
    i = jnp.nonzero(matches, size=M)[-1]
    # return self.weights[i].reshape(option.shape)
    return weights[i].reshape(option.shape)

if __name__ == "__main__":
    import jax
    _d = setup_inputs()
    print(jax.jit(kernel)(*tuple(_d.values())))

</pallas_src>

<mosaic_0001>
#map = affine_map<(d0, d1) -> (0)>
module attributes {stable_mosaic.version = 14 : i64} {
  func.func @k(%arg0: i32, %arg1: i32, %arg2: memref<425984xi32, #tpu.memory_space<hbm>>, %arg3: memref<100xf32, #tpu.memory_space<hbm>>, %arg4: memref<100xi32, #tpu.memory_space<hbm>>, %arg5: memref<425984xf32, #tpu.memory_space<hbm>>, %arg6: memref<100xf32, #tpu.memory_space<vmem>>, %arg7: memref<100xi32, #tpu.memory_space<vmem>>, %arg8: memref<128xf32, #tpu.memory_space<vmem>>, %arg9: memref<26624xi32, #tpu.memory_space<vmem>>, %arg10: memref<26624xf32, #tpu.memory_space<vmem>>, %arg11: memref<!tpu.dma_semaphore, #tpu.memory_space<semaphore_mem>>, %arg12: memref<!tpu.dma_semaphore, #tpu.memory_space<semaphore_mem>>, %arg13: memref<!tpu.dma_semaphore, #tpu.memory_space<semaphore_mem>>, %arg14: memref<!tpu.dma_semaphore, #tpu.memory_space<semaphore_mem>>, %arg15: memref<!tpu.dma_semaphore, #tpu.memory_space<semaphore_mem>>, %arg16: memref<!tpu.dma_semaphore, #tpu.memory_space<semaphore_mem>>, %arg17: memref<!tpu.dma_semaphore, #tpu.memory_space<semaphore_mem>>, %arg18: memref<!tpu.dma_semaphore, #tpu.memory_space<semaphore_mem>>, %arg19: memref<!tpu.dma_semaphore, #tpu.memory_space<semaphore_mem>>) attributes {dimension_semantics = [#tpu.dimension_semantics<core_parallel>, #tpu.dimension_semantics<subcore_parallel>], iteration_bounds = array<i64: 1, 16>, scalar_prefetch = 0 : i64, scratch_operands = 14 : i64, tpu.core_type = #tpu.core_type<sc_vector_subcore>, window_params = [{transform_indices = #map}, {transform_indices = #map}, {transform_indices = #map}, {transform_indices = #map}]} {
    %mul3A = arith.constant 1 : i32
    %mul3A_0 = arith.muli %arg1, %mul3A : i32
    %add3A = arith.addi %mul3A_0, %arg0 : i32
    %mul3A_1 = arith.constant 26624 : i32
    %mul3A_2 = arith.muli %add3A, %mul3A_1 : i32
    %add3A_3 = arith.constant 0 : i32
    %add3A_4 = arith.addi %mul3A_2, %add3A_3 : i32
    %dma_start3A = arith.constant 0 : i32
    %dma_start3A_5 = tpu.memref_slice %arg9[%dma_start3A] : memref<26624xi32, #tpu.memory_space<vmem>> -> memref<6656xi32, #tpu.memory_space<vmem>>
    %dma_start3A_6 = tpu.memref_slice %arg2[%add3A_4] : memref<425984xi32, #tpu.memory_space<hbm>> -> memref<6656xi32, #tpu.memory_space<hbm>>
    %dma_start3A_7 = arith.constant 0 : i32
    %dma_start3A_8 = tpu.memref_slice %arg9[%dma_start3A_7] : memref<26624xi32, #tpu.memory_space<vmem>> -> memref<6656xi32, #tpu.memory_space<vmem>>
    %dma_start3A_9 = tpu.memref_slice %arg2[%add3A_4] : memref<425984xi32, #tpu.memory_space<hbm>> -> memref<6656xi32, #tpu.memory_space<hbm>>
    tpu.enqueue_dma source(%dma_start3A_9 : memref<6656xi32, #tpu.memory_space<hbm>>) target(%dma_start3A_8 : memref<6656xi32, #tpu.memory_space<vmem>>) target_semaphore(%arg12 : memref<!tpu.dma_semaphore, #tpu.memory_space<semaphore_mem>>)
    %add3A_10 = arith.constant 6656 : i32
    %add3A_11 = arith.addi %mul3A_2, %add3A_10 : i32
    %dma_start3A_12 = arith.constant 6656 : i32
    %dma_start3A_13 = tpu.memref_slice %arg9[%dma_start3A_12] : memref<26624xi32, #tpu.memory_space<vmem>> -> memref<6656xi32, #tpu.memory_space<vmem>>
    %dma_start3A_14 = tpu.memref_slice %arg2[%add3A_11] : memref<425984xi32, #tpu.memory_space<hbm>> -> memref<6656xi32, #tpu.memory_space<hbm>>
    %dma_start3A_15 = arith.constant 6656 : i32
    %dma_start3A_16 = tpu.memref_slice %arg9[%dma_start3A_15] : memref<26624xi32, #tpu.memory_space<vmem>> -> memref<6656xi32, #tpu.memory_space<vmem>>
    %dma_start3A_17 = tpu.memref_slice %arg2[%add3A_11] : memref<425984xi32, #tpu.memory_space<hbm>> -> memref<6656xi32, #tpu.memory_space<hbm>>
    tpu.enqueue_dma source(%dma_start3A_17 : memref<6656xi32, #tpu.memory_space<hbm>>) target(%dma_start3A_16 : memref<6656xi32, #tpu.memory_space<vmem>>) target_semaphore(%arg13 : memref<!tpu.dma_semaphore, #tpu.memory_space<semaphore_mem>>)
    %add3A_18 = arith.constant 13312 : i32
    %add3A_19 = arith.addi %mul3A_2, %add3A_18 : i32
    %dma_start3A_20 = arith.constant 13312 : i32
    %dma_start3A_21 = tpu.memref_slice %arg9[%dma_start3A_20] : memref<26624xi32, #tpu.memory_space<vmem>> -> memref<6656xi32, #tpu.memory_space<vmem>>
    %dma_start3A_22 = tpu.memref_slice %arg2[%add3A_19] : memref<425984xi32, #tpu.memory_space<hbm>> -> memref<6656xi32, #tpu.memory_space<hbm>>
    %dma_start3A_23 = arith.constant 13312 : i32
    %dma_start3A_24 = tpu.memref_slice %arg9[%dma_start3A_23] : memref<26624xi32, #tpu.memory_space<vmem>> -> memref<6656xi32, #tpu.memory_space<vmem>>
    %dma_start3A_25 = tpu.memref_slice %arg2[%add3A_19] : memref<425984xi32, #tpu.memory_space<hbm>> -> memref<6656xi32, #tpu.memory_space<hbm>>
    tpu.enqueue_dma source(%dma_start3A_25 : memref<6656xi32, #tpu.memory_space<hbm>>) target(%dma_start3A_24 : memref<6656xi32, #tpu.memory_space<vmem>>) target_semaphore(%arg14 : memref<!tpu.dma_semaphore, #tpu.memory_space<semaphore_mem>>)
    %add3A_26 = arith.constant 19968 : i32
    %add3A_27 = arith.addi %mul3A_2, %add3A_26 : i32
    %dma_start3A_28 = arith.constant 19968 : i32
    %dma_start3A_29 = tpu.memref_slice %arg9[%dma_start3A_28] : memref<26624xi32, #tpu.memory_space<vmem>> -> memref<6656xi32, #tpu.memory_space<vmem>>
    %dma_start3A_30 = tpu.memref_slice %arg2[%add3A_27] : memref<425984xi32, #tpu.memory_space<hbm>> -> memref<6656xi32, #tpu.memory_space<hbm>>
    %dma_start3A_31 = arith.constant 19968 : i32
    %dma_start3A_32 = tpu.memref_slice %arg9[%dma_start3A_31] : memref<26624xi32, #tpu.memory_space<vmem>> -> memref<6656xi32, #tpu.memory_space<vmem>>
    %dma_start3A_33 = tpu.memref_slice %arg2[%add3A_27] : memref<425984xi32, #tpu.memory_space<hbm>> -> memref<6656xi32, #tpu.memory_space<hbm>>
    tpu.enqueue_dma source(%dma_start3A_33 : memref<6656xi32, #tpu.memory_space<hbm>>) target(%dma_start3A_32 : memref<6656xi32, #tpu.memory_space<vmem>>) target_semaphore(%arg15 : memref<!tpu.dma_semaphore, #tpu.memory_space<semaphore_mem>>)
    tpu.enqueue_dma source(%arg3 : memref<100xf32, #tpu.memory_space<hbm>>) target(%arg6 : memref<100xf32, #tpu.memory_space<vmem>>) target_semaphore(%arg11 : memref<!tpu.dma_semaphore, #tpu.memory_space<semaphore_mem>>)
    tpu.enqueue_dma source(%arg4 : memref<100xi32, #tpu.memory_space<hbm>>) target(%arg7 : memref<100xi32, #tpu.memory_space<vmem>>) target_semaphore(%arg11 : memref<!tpu.dma_semaphore, #tpu.memory_space<semaphore_mem>>)
    tpu.wait_dma2 semaphore(%arg11 : memref<!tpu.dma_semaphore, #tpu.memory_space<semaphore_mem>>) src(%arg3 : memref<100xf32, #tpu.memory_space<hbm>>) dst(%arg6 : memref<100xf32, #tpu.memory_space<vmem>>)
    tpu.wait_dma2 semaphore(%arg11 : memref<!tpu.dma_semaphore, #tpu.memory_space<semaphore_mem>>) src(%arg4 : memref<100xi32, #tpu.memory_space<hbm>>) dst(%arg7 : memref<100xi32, #tpu.memory_space<vmem>>)
    %get3A = arith.constant 0 : index
    %get3A_34 = tpu.vector_load %arg7[%get3A] {strides = array<i32>} : memref<100xi32, #tpu.memory_space<vmem>>, vector<16xi32>,
    %get3A_35 = arith.constant 0 : index
    %get3A_36 = tpu.vector_load %arg6[%get3A_35] {strides = array<i32>} : memref<100xf32, #tpu.memory_space<vmem>>, vector<16xf32>,
    tpu.vector_store_idx %arg8[%get3A_34], %get3A_36 : memref<128xf32, #tpu.memory_space<vmem>>[vector<16xi32>], vector<16xf32>,
    %get3A_37 = arith.constant 16 : index
    %get3A_38 = tpu.vector_load %arg7[%get3A_37] {strides = array<i32>} : memref<100xi32, #tpu.memory_space<vmem>>, vector<16xi32>,
    %get3A_39 = arith.constant 16 : index
    %get3A_40 = tpu.vector_load %arg6[%get3A_39] {strides = array<i32>} : memref<100xf32, #tpu.memory_space<vmem>>, vector<16xf32>,
    tpu.vector_store_idx %arg8[%get3A_38], %get3A_40 : memref<128xf32, #tpu.memory_space<vmem>>[vector<16xi32>], vector<16xf32>,
    %get3A_41 = arith.constant 32 : index
    %get3A_42 = tpu.vector_load %arg7[%get3A_41] {strides = array<i32>} : memref<100xi32, #tpu.memory_space<vmem>>, vector<16xi32>,
    %get3A_43 = arith.constant 32 : index
    %get3A_44 = tpu.vector_load %arg6[%get3A_43] {strides = array<i32>} : memref<100xf32, #tpu.memory_space<vmem>>, vector<16xf32>,
    tpu.vector_store_idx %arg8[%get3A_42], %get3A_44 : memref<128xf32, #tpu.memory_space<vmem>>[vector<16xi32>], vector<16xf32>,
    %get3A_45 = arith.constant 48 : index
    %get3A_46 = tpu.vector_load %arg7[%get3A_45] {strides = array<i32>} : memref<100xi32, #tpu.memory_space<vmem>>, vector<16xi32>,
    %get3A_47 = arith.constant 48 : index
    %get3A_48 = tpu.vector_load %arg6[%get3A_47] {strides = array<i32>} : memref<100xf32, #tpu.memory_space<vmem>>, vector<16xf32>,
    tpu.vector_store_idx %arg8[%get3A_46], %get3A_48 : memref<128xf32, #tpu.memory_space<vmem>>[vector<16xi32>], vector<16xf32>,
    %get3A_49 = arith.constant 64 : index
    %get3A_50 = tpu.vector_load %arg7[%get3A_49] {strides = array<i32>} : memref<100xi32, #tpu.memory_space<vmem>>, vector<16xi32>,
    %get3A_51 = arith.constant 64 : index
    %get3A_52 = tpu.vector_load %arg6[%get3A_51] {strides = array<i32>} : memref<100xf32, #tpu.memory_space<vmem>>, vector<16xf32>,
    tpu.vector_store_idx %arg8[%get3A_50], %get3A_52 : memref<128xf32, #tpu.memory_space<vmem>>[vector<16xi32>], vector<16xf32>,
    %get3A_53 = arith.constant 80 : index
    %get3A_54 = tpu.vector_load %arg7[%get3A_53] {strides = array<i32>} : memref<100xi32, #tpu.memory_space<vmem>>, vector<16xi32>,
    %get3A_55 = arith.constant 80 : index
    %get3A_56 = tpu.vector_load %arg6[%get3A_55] {strides = array<i32>} : memref<100xf32, #tpu.memory_space<vmem>>, vector<16xf32>,
    tpu.vector_store_idx %arg8[%get3A_54], %get3A_56 : memref<128xf32, #tpu.memory_space<vmem>>[vector<16xi32>], vector<16xf32>,
    %get3A_57 = arith.constant 84 : index
    %get3A_58 = tpu.vector_load %arg7[%get3A_57] {strides = array<i32>} : memref<100xi32, #tpu.memory_space<vmem>>, vector<16xi32>,
    %get3A_59 = arith.constant 84 : index
    %get3A_60 = tpu.vector_load %arg6[%get3A_59] {strides = array<i32>} : memref<100xf32, #tpu.memory_space<vmem>>, vector<16xf32>,
    tpu.vector_store_idx %arg8[%get3A_58], %get3A_60 : memref<128xf32, #tpu.memory_space<vmem>>[vector<16xi32>], vector<16xf32>,
    %dma_wait3A = arith.constant 0 : i32
    %dma_wait3A_61 = tpu.memref_slice %arg9[%dma_wait3A] : memref<26624xi32, #tpu.memory_space<vmem>> -> memref<6656xi32, #tpu.memory_space<vmem>>
    %dma_wait3A_62 = tpu.memref_slice %arg2[%add3A_4] : memref<425984xi32, #tpu.memory_space<hbm>> -> memref<6656xi32, #tpu.memory_space<hbm>>
    %dma_wait3A_63 = arith.constant 0 : i32
    %dma_wait3A_64 = tpu.memref_slice %arg9[%dma_wait3A_63] : memref<26624xi32, #tpu.memory_space<vmem>> -> memref<6656xi32, #tpu.memory_space<vmem>>
    %dma_wait3A_65 = tpu.memref_slice %arg2[%add3A_4] : memref<425984xi32, #tpu.memory_space<hbm>> -> memref<6656xi32, #tpu.memory_space<hbm>>
    tpu.wait_dma2 semaphore(%arg12 : memref<!tpu.dma_semaphore, #tpu.memory_space<semaphore_mem>>) src(%dma_wait3A_65 : memref<6656xi32, #tpu.memory_space<hbm>>) dst(%dma_wait3A_64 : memref<6656xi32, #tpu.memory_space<vmem>>)
    %parallel_loop3A = arith.constant 0 : i32
    %parallel_loop3A_66 = arith.constant 6656 : i32
    %parallel_loop3A_67 = arith.constant 16 : i32
    scf.for %parallel_loop3A_151 = %parallel_loop3A to %parallel_loop3A_66 step %parallel_loop3A_67  : i32 {
      %parallel_loop3A_152 = arith.index_cast %parallel_loop3A_151 : i32 to index
      %parallel_loop3A_153 = tpu.vector_load %arg9[%parallel_loop3A_152] {strides = array<i32>} : memref<26624xi32, #tpu.memory_space<vmem>>, vector<16xi32>,
      %parallel_loop3A_154 = tpu.vector_load_idx %arg8[%parallel_loop3A_153] : memref<128xf32, #tpu.memory_space<vmem>>[vector<16xi32>], vector<16xf32>,
      %parallel_loop3A_155 = arith.index_cast %parallel_loop3A_151 : i32 to index
      %parallel_loop3A_156 = tpu.vector_load %arg10[%parallel_loop3A_155] {strides = array<i32>} : memref<26624xf32, #tpu.memory_space<vmem>>, vector<16xf32>,
      tpu.vector_store %arg10[%parallel_loop3A_155], %parallel_loop3A_154 {strides = array<i32>} : memref<26624xf32, #tpu.memory_space<vmem>>, vector<16xf32>,
    } {sc.loop_unroll_factor = 8 : i64, sc.parallel_access}
    %add3A_68 = arith.constant 0 : i32
    %add3A_69 = arith.addi %mul3A_2, %add3A_68 : i32
    %dma_start3A_70 = arith.constant 0 : i32
    %dma_start3A_71 = tpu.memref_slice %arg10[%dma_start3A_70] : memref<26624xf32, #tpu.memory_space<vmem>> -> memref<6656xf32, #tpu.memory_space<vmem>>
    %dma_start3A_72 = tpu.memref_slice %arg5[%add3A_69] : memref<425984xf32, #tpu.memory_space<hbm>> -> memref<6656xf32, #tpu.memory_space<hbm>>
    %dma_start3A_73 = tpu.memref_slice %arg5[%add3A_69] : memref<425984xf32, #tpu.memory_space<hbm>> -> memref<6656xf32, #tpu.memory_space<hbm>>
    %dma_start3A_74 = arith.constant 0 : i32
    %dma_start3A_75 = tpu.memref_slice %arg10[%dma_start3A_74] : memref<26624xf32, #tpu.memory_space<vmem>> -> memref<6656xf32, #tpu.memory_space<vmem>>
    tpu.enqueue_dma source(%dma_start3A_75 : memref<6656xf32, #tpu.memory_space<vmem>>) target(%dma_start3A_73 : memref<6656xf32, #tpu.memory_space<hbm>>) target_semaphore(%arg16 : memref<!tpu.dma_semaphore, #tpu.memory_space<semaphore_mem>>)
    %dma_wait3A_76 = arith.constant 6656 : i32
    %dma_wait3A_77 = tpu.memref_slice %arg9[%dma_wait3A_76] : memref<26624xi32, #tpu.memory_space<vmem>> -> memref<6656xi32, #tpu.memory_space<vmem>>
    %dma_wait3A_78 = tpu.memref_slice %arg2[%add3A_11] : memref<425984xi32, #tpu.memory_space<hbm>> -> memref<6656xi32, #tpu.memory_space<hbm>>
    %dma_wait3A_79 = arith.constant 6656 : i32
    %dma_wait3A_80 = tpu.memref_slice %arg9[%dma_wait3A_79] : memref<26624xi32, #tpu.memory_space<vmem>> -> memref<6656xi32, #tpu.memory_space<vmem>>
    %dma_wait3A_81 = tpu.memref_slice %arg2[%add3A_11] : memref<425984xi32, #tpu.memory_space<hbm>> -> memref<6656xi32, #tpu.memory_space<hbm>>
    tpu.wait_dma2 semaphore(%arg13 : memref<!tpu.dma_semaphore, #tpu.memory_space<semaphore_mem>>) src(%dma_wait3A_81 : memref<6656xi32, #tpu.memory_space<hbm>>) dst(%dma_wait3A_80 : memref<6656xi32, #tpu.memory_space<vmem>>)
    %parallel_loop3A_82 = arith.constant 6656 : i32
    %parallel_loop3A_83 = arith.constant 13312 : i32
    %parallel_loop3A_84 = arith.constant 16 : i32
    scf.for %parallel_loop3A_151 = %parallel_loop3A_82 to %parallel_loop3A_83 step %parallel_loop3A_84  : i32 {
      %parallel_loop3A_152 = arith.index_cast %parallel_loop3A_151 : i32 to index
      %parallel_loop3A_153 = tpu.vector_load %arg9[%parallel_loop3A_152] {strides = array<i32>} : memref<26624xi32, #tpu.memory_space<vmem>>, vector<16xi32>,
      %parallel_loop3A_154 = tpu.vector_load_idx %arg8[%parallel_loop3A_153] : memref<128xf32, #tpu.memory_space<vmem>>[vector<16xi32>], vector<16xf32>,
      %parallel_loop3A_155 = arith.index_cast %parallel_loop3A_151 : i32 to index
      %parallel_loop3A_156 = tpu.vector_load %arg10[%parallel_loop3A_155] {strides = array<i32>} : memref<26624xf32, #tpu.memory_space<vmem>>, vector<16xf32>,
      tpu.vector_store %arg10[%parallel_loop3A_155], %parallel_loop3A_154 {strides = array<i32>} : memref<26624xf32, #tpu.memory_space<vmem>>, vector<16xf32>,
    } {sc.loop_unroll_factor = 8 : i64, sc.parallel_access}
    %add3A_85 = arith.constant 6656 : i32
    %add3A_86 = arith.addi %mul3A_2, %add3A_85 : i32
    %dma_start3A_87 = arith.constant 6656 : i32
    %dma_start3A_88 = tpu.memref_slice %arg10[%dma_start3A_87] : memref<26624xf32, #tpu.memory_space<vmem>> -> memref<6656xf32, #tpu.memory_space<vmem>>
    %dma_start3A_89 = tpu.memref_slice %arg5[%add3A_86] : memref<425984xf32, #tpu.memory_space<hbm>> -> memref<6656xf32, #tpu.memory_space<hbm>>
    %dma_start3A_90 = tpu.memref_slice %arg5[%add3A_86] : memref<425984xf32, #tpu.memory_space<hbm>> -> memref<6656xf32, #tpu.memory_space<hbm>>
    %dma_start3A_91 = arith.constant 6656 : i32
    %dma_start3A_92 = tpu.memref_slice %arg10[%dma_start3A_91] : memref<26624xf32, #tpu.memory_space<vmem>> -> memref<6656xf32, #tpu.memory_space<vmem>>
    tpu.enqueue_dma source(%dma_start3A_92 : memref<6656xf32, #tpu.memory_space<vmem>>) target(%dma_start3A_90 : memref<6656xf32, #tpu.memory_space<hbm>>) target_semaphore(%arg17 : memref<!tpu.dma_semaphore, #tpu.memory_space<semaphore_mem>>)
    %dma_wait3A_93 = arith.constant 13312 : i32
    %dma_wait3A_94 = tpu.memref_slice %arg9[%dma_wait3A_93] : memref<26624xi32, #tpu.memory_space<vmem>> -> memref<6656xi32, #tpu.memory_space<vmem>>
    %dma_wait3A_95 = tpu.memref_slice %arg2[%add3A_19] : memref<425984xi32, #tpu.memory_space<hbm>> -> memref<6656xi32, #tpu.memory_space<hbm>>
    %dma_wait3A_96 = arith.constant 13312 : i32
    %dma_wait3A_97 = tpu.memref_slice %arg9[%dma_wait3A_96] : memref<26624xi32, #tpu.memory_space<vmem>> -> memref<6656xi32, #tpu.memory_space<vmem>>
    %dma_wait3A_98 = tpu.memref_slice %arg2[%add3A_19] : memref<425984xi32, #tpu.memory_space<hbm>> -> memref<6656xi32, #tpu.memory_space<hbm>>
    tpu.wait_dma2 semaphore(%arg14 : memref<!tpu.dma_semaphore, #tpu.memory_space<semaphore_mem>>) src(%dma_wait3A_98 : memref<6656xi32, #tpu.memory_space<hbm>>) dst(%dma_wait3A_97 : memref<6656xi32, #tpu.memory_space<vmem>>)
    %parallel_loop3A_99 = arith.constant 13312 : i32
    %parallel_loop3A_100 = arith.constant 19968 : i32
    %parallel_loop3A_101 = arith.constant 16 : i32
    scf.for %parallel_loop3A_151 = %parallel_loop3A_99 to %parallel_loop3A_100 step %parallel_loop3A_101  : i32 {
      %parallel_loop3A_152 = arith.index_cast %parallel_loop3A_151 : i32 to index
      %parallel_loop3A_153 = tpu.vector_load %arg9[%parallel_loop3A_152] {strides = array<i32>} : memref<26624xi32, #tpu.memory_space<vmem>>, vector<16xi32>,
      %parallel_loop3A_154 = tpu.vector_load_idx %arg8[%parallel_loop3A_153] : memref<128xf32, #tpu.memory_space<vmem>>[vector<16xi32>], vector<16xf32>,
      %parallel_loop3A_155 = arith.index_cast %parallel_loop3A_151 : i32 to index
      %parallel_loop3A_156 = tpu.vector_load %arg10[%parallel_loop3A_155] {strides = array<i32>} : memref<26624xf32, #tpu.memory_space<vmem>>, vector<16xf32>,
      tpu.vector_store %arg10[%parallel_loop3A_155], %parallel_loop3A_154 {strides = array<i32>} : memref<26624xf32, #tpu.memory_space<vmem>>, vector<16xf32>,
    } {sc.loop_unroll_factor = 8 : i64, sc.parallel_access}
    %add3A_102 = arith.constant 13312 : i32
    %add3A_103 = arith.addi %mul3A_2, %add3A_102 : i32
    %dma_start3A_104 = arith.constant 13312 : i32
    %dma_start3A_105 = tpu.memref_slice %arg10[%dma_start3A_104] : memref<26624xf32, #tpu.memory_space<vmem>> -> memref<6656xf32, #tpu.memory_space<vmem>>
    %dma_start3A_106 = tpu.memref_slice %arg5[%add3A_103] : memref<425984xf32, #tpu.memory_space<hbm>> -> memref<6656xf32, #tpu.memory_space<hbm>>
    %dma_start3A_107 = tpu.memref_slice %arg5[%add3A_103] : memref<425984xf32, #tpu.memory_space<hbm>> -> memref<6656xf32, #tpu.memory_space<hbm>>
    %dma_start3A_108 = arith.constant 13312 : i32
    %dma_start3A_109 = tpu.memref_slice %arg10[%dma_start3A_108] : memref<26624xf32, #tpu.memory_space<vmem>> -> memref<6656xf32, #tpu.memory_space<vmem>>
    tpu.enqueue_dma source(%dma_start3A_109 : memref<6656xf32, #tpu.memory_space<vmem>>) target(%dma_start3A_107 : memref<6656xf32, #tpu.memory_space<hbm>>) target_semaphore(%arg18 : memref<!tpu.dma_semaphore, #tpu.memory_space<semaphore_mem>>)
    %dma_wait3A_110 = arith.constant 19968 : i32
    %dma_wait3A_111 = tpu.memref_slice %arg9[%dma_wait3A_110] : memref<26624xi32, #tpu.memory_space<vmem>> -> memref<6656xi32, #tpu.memory_space<vmem>>
    %dma_wait3A_112 = tpu.memref_slice %arg2[%add3A_27] : memref<425984xi32, #tpu.memory_space<hbm>> -> memref<6656xi32, #tpu.memory_space<hbm>>
    %dma_wait3A_113 = arith.constant 19968 : i32
    %dma_wait3A_114 = tpu.memref_slice %arg9[%dma_wait3A_113] : memref<26624xi32, #tpu.memory_space<vmem>> -> memref<6656xi32, #tpu.memory_space<vmem>>
    %dma_wait3A_115 = tpu.memref_slice %arg2[%add3A_27] : memref<425984xi32, #tpu.memory_space<hbm>> -> memref<6656xi32, #tpu.memory_space<hbm>>
    tpu.wait_dma2 semaphore(%arg15 : memref<!tpu.dma_semaphore, #tpu.memory_space<semaphore_mem>>) src(%dma_wait3A_115 : memref<6656xi32, #tpu.memory_space<hbm>>) dst(%dma_wait3A_114 : memref<6656xi32, #tpu.memory_space<vmem>>)
    %parallel_loop3A_116 = arith.constant 19968 : i32
    %parallel_loop3A_117 = arith.constant 26624 : i32
    %parallel_loop3A_118 = arith.constant 16 : i32
    scf.for %parallel_loop3A_151 = %parallel_loop3A_116 to %parallel_loop3A_117 step %parallel_loop3A_118  : i32 {
      %parallel_loop3A_152 = arith.index_cast %parallel_loop3A_151 : i32 to index
      %parallel_loop3A_153 = tpu.vector_load %arg9[%parallel_loop3A_152] {strides = array<i32>} : memref<26624xi32, #tpu.memory_space<vmem>>, vector<16xi32>,
      %parallel_loop3A_154 = tpu.vector_load_idx %arg8[%parallel_loop3A_153] : memref<128xf32, #tpu.memory_space<vmem>>[vector<16xi32>], vector<16xf32>,
      %parallel_loop3A_155 = arith.index_cast %parallel_loop3A_151 : i32 to index
      %parallel_loop3A_156 = tpu.vector_load %arg10[%parallel_loop3A_155] {strides = array<i32>} : memref<26624xf32, #tpu.memory_space<vmem>>, vector<16xf32>,
      tpu.vector_store %arg10[%parallel_loop3A_155], %parallel_loop3A_154 {strides = array<i32>} : memref<26624xf32, #tpu.memory_space<vmem>>, vector<16xf32>,
    } {sc.loop_unroll_factor = 8 : i64, sc.parallel_access}
    %add3A_119 = arith.constant 19968 : i32
    %add3A_120 = arith.addi %mul3A_2, %add3A_119 : i32
    %dma_start3A_121 = arith.constant 19968 : i32
    %dma_start3A_122 = tpu.memref_slice %arg10[%dma_start3A_121] : memref<26624xf32, #tpu.memory_space<vmem>> -> memref<6656xf32, #tpu.memory_space<vmem>>
    %dma_start3A_123 = tpu.memref_slice %arg5[%add3A_120] : memref<425984xf32, #tpu.memory_space<hbm>> -> memref<6656xf32, #tpu.memory_space<hbm>>
    %dma_start3A_124 = tpu.memref_slice %arg5[%add3A_120] : memref<425984xf32, #tpu.memory_space<hbm>> -> memref<6656xf32, #tpu.memory_space<hbm>>
    %dma_start3A_125 = arith.constant 19968 : i32
    %dma_start3A_126 = tpu.memref_slice %arg10[%dma_start3A_125] : memref<26624xf32, #tpu.memory_space<vmem>> -> memref<6656xf32, #tpu.memory_space<vmem>>
    tpu.enqueue_dma source(%dma_start3A_126 : memref<6656xf32, #tpu.memory_space<vmem>>) target(%dma_start3A_124 : memref<6656xf32, #tpu.memory_space<hbm>>) target_semaphore(%arg19 : memref<!tpu.dma_semaphore, #tpu.memory_space<semaphore_mem>>)
    %dma_wait3A_127 = arith.constant 0 : i32
    %dma_wait3A_128 = tpu.memref_slice %arg10[%dma_wait3A_127] : memref<26624xf32, #tpu.memory_space<vmem>> -> memref<6656xf32, #tpu.memory_space<vmem>>
    %dma_wait3A_129 = tpu.memref_slice %arg5[%add3A_69] : memref<425984xf32, #tpu.memory_space<hbm>> -> memref<6656xf32, #tpu.memory_space<hbm>>
    %dma_wait3A_130 = tpu.memref_slice %arg5[%add3A_69] : memref<425984xf32, #tpu.memory_space<hbm>> -> memref<6656xf32, #tpu.memory_space<hbm>>
    %dma_wait3A_131 = arith.constant 0 : i32
    %dma_wait3A_132 = tpu.memref_slice %arg10[%dma_wait3A_131] : memref<26624xf32, #tpu.memory_space<vmem>> -> memref<6656xf32, #tpu.memory_space<vmem>>
    tpu.wait_dma2 semaphore(%arg16 : memref<!tpu.dma_semaphore, #tpu.memory_space<semaphore_mem>>) src(%dma_wait3A_132 : memref<6656xf32, #tpu.memory_space<vmem>>) dst(%dma_wait3A_130 : memref<6656xf32, #tpu.memory_space<hbm>>)
    %dma_wait3A_133 = arith.constant 6656 : i32
    %dma_wait3A_134 = tpu.memref_slice %arg10[%dma_wait3A_133] : memref<26624xf32, #tpu.memory_space<vmem>> -> memref<6656xf32, #tpu.memory_space<vmem>>
    %dma_wait3A_135 = tpu.memref_slice %arg5[%add3A_86] : memref<425984xf32, #tpu.memory_space<hbm>> -> memref<6656xf32, #tpu.memory_space<hbm>>
    %dma_wait3A_136 = tpu.memref_slice %arg5[%add3A_86] : memref<425984xf32, #tpu.memory_space<hbm>> -> memref<6656xf32, #tpu.memory_space<hbm>>
    %dma_wait3A_137 = arith.constant 6656 : i32
    %dma_wait3A_138 = tpu.memref_slice %arg10[%dma_wait3A_137] : memref<26624xf32, #tpu.memory_space<vmem>> -> memref<6656xf32, #tpu.memory_space<vmem>>
    tpu.wait_dma2 semaphore(%arg17 : memref<!tpu.dma_semaphore, #tpu.memory_space<semaphore_mem>>) src(%dma_wait3A_138 : memref<6656xf32, #tpu.memory_space<vmem>>) dst(%dma_wait3A_136 : memref<6656xf32, #tpu.memory_space<hbm>>)
    %dma_wait3A_139 = arith.constant 13312 : i32
    %dma_wait3A_140 = tpu.memref_slice %arg10[%dma_wait3A_139] : memref<26624xf32, #tpu.memory_space<vmem>> -> memref<6656xf32, #tpu.memory_space<vmem>>
    %dma_wait3A_141 = tpu.memref_slice %arg5[%add3A_103] : memref<425984xf32, #tpu.memory_space<hbm>> -> memref<6656xf32, #tpu.memory_space<hbm>>
    %dma_wait3A_142 = tpu.memref_slice %arg5[%add3A_103] : memref<425984xf32, #tpu.memory_space<hbm>> -> memref<6656xf32, #tpu.memory_space<hbm>>
    %dma_wait3A_143 = arith.constant 13312 : i32
    %dma_wait3A_144 = tpu.memref_slice %arg10[%dma_wait3A_143] : memref<26624xf32, #tpu.memory_space<vmem>> -> memref<6656xf32, #tpu.memory_space<vmem>>
    tpu.wait_dma2 semaphore(%arg18 : memref<!tpu.dma_semaphore, #tpu.memory_space<semaphore_mem>>) src(%dma_wait3A_144 : memref<6656xf32, #tpu.memory_space<vmem>>) dst(%dma_wait3A_142 : memref<6656xf32, #tpu.memory_space<hbm>>)
    %dma_wait3A_145 = arith.constant 19968 : i32
    %dma_wait3A_146 = tpu.memref_slice %arg10[%dma_wait3A_145] : memref<26624xf32, #tpu.memory_space<vmem>> -> memref<6656xf32, #tpu.memory_space<vmem>>
    %dma_wait3A_147 = tpu.memref_slice %arg5[%add3A_120] : memref<425984xf32, #tpu.memory_space<hbm>> -> memref<6656xf32, #tpu.memory_space<hbm>>
    %dma_wait3A_148 = tpu.memref_slice %arg5[%add3A_120] : memref<425984xf32, #tpu.memory_space<hbm>> -> memref<6656xf32, #tpu.memory_space<hbm>>
    %dma_wait3A_149 = arith.constant 19968 : i32
    %dma_wait3A_150 = tpu.memref_slice %arg10[%dma_wait3A_149] : memref<26624xf32, #tpu.memory_space<vmem>> -> memref<6656xf32, #tpu.memory_space<vmem>>
    tpu.wait_dma2 semaphore(%arg19 : memref<!tpu.dma_semaphore, #tpu.memory_space<semaphore_mem>>) src(%dma_wait3A_150 : memref<6656xf32, #tpu.memory_space<vmem>>) dst(%dma_wait3A_148 : memref<6656xf32, #tpu.memory_space<hbm>>)
    return
  }
}

</mosaic_0001>

<sc_bundles>
// kernel: kernel.3.cloned.1.call-start
scs
__scs_entry_jumppad:
0x0: {  	(pc) =	sbr.rel $0x88, $3  }
0x1: {  	(tag) =	ssettag $0x0;
	lr =	simm.s32 $0x1  }
0x2: {  	[smem:$0x3F9E] =	sst lr;
	_ =	strace $0xD0000000  }
0x3: {  	_ = 	snop  }
0x4: {  	_ = 	snop  }
0x5: {  	_ = 	snop  }
0x6: {  	_ = 	snop  }
0x7: {  	_ = 	snop  }
__scs_overlays_trampoline_lowered:
0x8: {  	[smem:$0x3FAD] =	sst s0  }
0x9: {  	[smem:$0x3FAE] =	sst s1  }
0xa: {  	[smem:$0x3FAF] =	sst s2  }
0xb: {  	[smem:$0x3FB0] =	sst s3  }
0xc: {  	[smem:$0x3FB1] =	sst s4  }
0xd: {  	[smem:$0x3FB2] =	sst s5  }
0xe: {  	[smem:$0x3FB3] =	sst s6  }
0xf: {  	[smem:$0x3FB4] =	sst s7  }
0x10: {  	[smem:$0x3FB5] =	sst s8  }
0x11: {  	[smem:$0x3FB6] =	sst s9;
	s0 =	simm.s32 @!p0 $0x0  }
0x12: {  	s1 =	sld [smem:$0x3F9C];
	s0 =	simm.s32 @p0 $0x1  }
0x13: {  	[smem:$0x3FB7] =	sst s0;
	s0 =	simm.s32 @!p1 $0x0  }
0x14: {  	s2 =	sld [smem:$0x3F9B];
	s0 =	simm.s32 @p1 $0x1  }
0x15: {  	[smem:$0x3FB8] =	sst s0;
	s0 =	simm.s32 @!p2 $0x0  }
0x16: {  	s3 =	sld [smem:$0x3FDB];
	s0 =	simm.s32 @p2 $0x1  }
0x17: {  	s4 =	simm.s32 $0x1BF5;
	[smem:$0x3FBA] =	sst s0  }
0x18: {  	s0 =	sld [smem:$0x3F9D];
	_ =	swait.ge [sflag:s4], $0x0  }
0x19: {  	s7 =	sld [smem:$0x3F9E]  }
0x1a: {  	s8 =	sadd.s32 $0xFFFFE003, lr  }
0x1b: {  	s9 =	sadd.s32 $0xFFFFFEF7, lr;
	s5 =	simm.s32 $0xFFFFFFFF;
	p2 =	slt.u32 s8, $0xFFFFF086  }
0x1c: {  	p1 =	slt.u32 s9, $0xF7A;
	s5 =	simm.s32 @!p2 $0x0  }
0x1d: {  	s5 =	simm.s32 @p1 $0x1;
	p0 =	seq.s32 s7, s2  }
0x1e: {  	s7 =	smul.u32 @!p0 $0xF7A, s2;
	p2 =	seq.s32 @!p0 s5, $0x0  }
0x1f: {  	s9 =	smul.u32 $0xF7A, s1;
	s8 =	simm.s32 @!p0 $0x1BF5;
	p2 =	por !p2, p0  }
0x20: {  	[sflag:s8] =	ssyncset.s32 @!p0 $0xFFFFF086;
	s6 =	sadd.s32 @!p0 s3, s7;
	s7 =	simm.s32 @!p0 $0x108  }
0x21: {  	s3 =	sadd.s32 s3, s9;
	s6 =	sadd.s32 @!p0 $0x88, s6;
	s7 =	simm.s32 @p2 $0x1082  }
0x22: {  	[simem:s7], [sflag:s8] =	dma.local @!p0 [hbm:s6], $0xF7A  }
0x23: {  	s9 =	sor.u32 $0xD0000000, s2;
	s6 =	simm.s32 $0x108;
	_ =	swait.ge @!p0 [sflag:s8], $0x0  }
0x24: {  	s3 =	sadd.s32 $0x88, s3;
	s6 =	simm.s32 @!p1 $0x1082;
	[sflag:s4] =	ssyncset.s32 $0xFFFFF086  }
0x25: {  	[simem:s6], [sflag:s4] =	dma.local [hbm:s3], $0xF7A  }
0x26: {  	[smem:$0x3F9E] =	sst s1;
	(tag) =	ssettag s2;
	_ =	strace s9  }
0x27: {  	s1 =	sld [smem:$0x3FAE]  }
0x28: {  	s2 =	sld [smem:$0x3FAF]  }
0x29: {  	s4 =	sld [smem:$0x3FB1]  }
0x2a: {  	p0 =	seq.s32 s5, $0x0;
	s5 =	sld [smem:$0x3FB2]  }
0x2b: {  	s6 =	sld [smem:$0x3FB3]  }
0x2c: {  	s7 =	sld [smem:$0x3FB4]  }
0x2d: {  	s3 =	simm.s32 $0x108;
	s8 =	sld [smem:$0x3FB5]  }
0x2e: {  	s3 =	simm.s32 @!p0 $0x1082;
	s9 =	sld [smem:$0x3FB6]  }
0x2f: {  	lr =	sadd.s32 s0, s3;
	s0 =	sld [smem:$0x3FAD]  }
0x30: {  	s3 =	sld [smem:$0x3FB0]  }
0x31: {  	[smem:$0x3FB9] =	sst s10  }
0x32: {  	s10 =	sld [smem:$0x3FB7];
	_ =	sdelay $0x3  }
0x33: {  	p0 =	seq.s32 s10, $0x1;
	s10 =	sld [smem:$0x3FB9];
	_ =	sdelay $0x3  }
0x34: {  	[smem:$0x3FB9] =	sst s10  }
0x35: {  	s10 =	sld [smem:$0x3FB8];
	_ =	sdelay $0x3  }
0x36: {  	p1 =	seq.s32 s10, $0x1;
	s10 =	sld [smem:$0x3FB9];
	_ =	sdelay $0x3  }
0x37: {  	[smem:$0x3FB9] =	sst s10  }
0x38: {  	s10 =	sld [smem:$0x3FBA]  }
0x39: {  	_ = 	snop;
	(pc) =	sbr.ind lr, $3  }
0x3a: {  	_ = 	snop  }
0x3b: {  	_ = 	snop  }
0x3c: {  	p2 =	seq.s32 s10, $0x1;
	s10 =	sld [smem:$0x3FB9]  }
0x3d: {  	_ =	shalt  }
0x3e: {  	_ =	shalt  }
0x3f: {  	_ =	shalt  }
0x40: {  	_ =	shalt  }
0x41: {  	_ =	shalt  }
0x42: {  	_ =	shalt  }
0x43: {  	_ =	shalt  }
0x44: {  	_ =	shalt  }
0x45: {  	_ =	shalt  }
0x46: {  	_ =	shalt  }
0x47: {  	_ =	shalt  }
0x48: {  	_ =	shalt  }
0x49: {  	_ =	shalt  }
0x4a: {  	_ =	shalt  }
0x4b: {  	_ =	shalt  }
0x4c: {  	_ =	shalt  }
0x4d: {  	_ =	shalt  }
0x4e: {  	_ =	shalt  }
0x4f: {  	_ =	shalt  }
0x50: {  	_ =	shalt  }
0x51: {  	_ =	shalt  }
0x52: {  	_ =	shalt  }
0x53: {  	_ =	shalt  }
0x54: {  	_ =	shalt  }
0x55: {  	_ =	shalt  }
0x56: {  	_ =	shalt  }
0x57: {  	_ =	shalt  }
0x58: {  	_ =	shalt  }
0x59: {  	_ =	shalt  }
0x5a: {  	_ =	shalt  }
0x5b: {  	_ =	shalt  }
0x5c: {  	_ =	shalt  }
0x5d: {  	_ =	shalt  }
0x5e: {  	_ =	shalt  }
0x5f: {  	_ =	shalt  }
0x60: {  	_ =	shalt  }
0x61: {  	_ =	shalt  }
0x62: {  	_ =	shalt  }
0x63: {  	_ =	shalt  }
0x64: {  	_ =	shalt  }
0x65: {  	_ =	shalt  }
0x66: {  	_ =	shalt  }
0x67: {  	_ =	shalt  }
0x68: {  	_ =	shalt  }
0x69: {  	_ =	shalt  }
0x6a: {  	_ =	shalt  }
0x6b: {  	_ =	shalt  }
0x6c: {  	_ =	shalt  }
0x6d: {  	_ =	shalt  }
0x6e: {  	_ =	shalt  }
0x6f: {  	_ =	shalt  }
0x70: {  	_ =	shalt  }
0x71: {  	_ =	shalt  }
0x72: {  	_ =	shalt  }
0x73: {  	_ =	shalt  }
0x74: {  	_ =	shalt  }
0x75: {  	_ =	shalt  }
0x76: {  	_ =	shalt  }
0x77: {  	_ =	shalt  }
0x78: {  	_ =	shalt  }
0x79: {  	_ =	shalt  }
0x7a: {  	_ =	shalt  }
0x7b: {  	_ =	shalt  }
0x7c: {  	_ =	shalt  }
0x7d: {  	_ =	shalt  }
0x7e: {  	_ =	shalt  }
0x7f: {  	_ =	shalt  }
0x80: {  	_ =	shalt  }
0x81: {  	_ =	shalt  }
0x82: {  	_ =	shalt  }
0x83: {  	_ =	shalt  }
0x84: {  	_ =	shalt  }
0x85: {  	_ =	shalt  }
0x86: {  	_ =	shalt  }
0x87: {  	_ =	shalt  }
.Lfunc_end0:
.L_simem_size_0:
called_computation_lowered:
.L_overlay_start_0:
0x88: {  	s0 =	sld [smem:$0x3FD9]  }
0x89: {  	s1 =	sld [smem:$0x3FFE];
	_ =	sdelay $0x3  }
0x8a: {  	s0 =	sadd.s32 s1, s0  }
0x8b: {  	[smem:$0x3FC5] =	sst s0  }
0x8c: {  	_ = 	snop  }
0x8d: {  	s0 =	sld [smem:$0x3FC8]  }
0x8e: {  	s16 =	sld [smem:$0x3FC7]  }
0x8f: {  	s2 =	sld [smem:$0x3FD0];
	(tm) =	ssettm $0x1  }
0x90: {  	s3 =	sld [smem:$0x3FFB];
	_ =	sdelay $0x3  }
0x91: {  	_ =	strace s3  }
0x92: {  	s3 =	sld [smem:$0x3FFC];
	_ =	sdelay $0x3  }
0x93: {  	_ =	strace s3  }
0x94: {  	s3 =	sld [smem:$0x3FFD];
	_ =	sdelay $0x3  }
0x95: {  	_ =	strace s3  }
0x96: {  	_ =	strace $0x8FFFFFFF  }
0x97: {  	s17 =	sld [smem:$0x3FDB];
	_ =	sdelay $0x1  }
0x98: {  	s4 =	simm.s32 $_scs_section_size  }
0x99: {  	s5 =	simm.s32 $_size__tile_overlayer_lowered;
	s6 =	simm.s32 $_tile_overlayer_lowered  }
0x9a: {  	s20 =	simm.s32 $0x1BFF;
	s19 =	sshll.u32 s6, $0x1;
	s3 =	sadd.s32 s4, s17  }
0x9b: {  	s7 =	simm.s32 $0x0;
	s18 =	sshll.u32 s5, $0x1;
	s5 =	sadd.s32 s19, s3  }
0x9c: {  	[timem:s7], [sflag:s20] =	dma.local [hbm:s5], s18  }
0x9d: {  	_ =	swait.ge [sflag:s20], s18  }
0x9e: {  	s4 =	ssub.s32 $0x0, s18;
	[sflag:s20] =	ssyncset.done $0x0  }
0x9f: {  	[sflag:s20] =	ssyncadd.s32 s4;
	_ =	sdelay $0x1  }
0xa0: {  	s21 =	simm.s32 $0x1B8B  }
0xa1: {  	_ =	swait.ge [sflag:s21], $0x1  }
0xa2: {  	[sflag:s21] =	ssyncset.done $0x0  }
0xa3: {  	s23 =	simm.s32 $0x1B8E;
	s22 =	sld [smem:$0x3FFE];
	[sflag:s21] =	ssyncadd.s32 $0xFFFFFFFF  }
0xa4: {  	s24 =	simm.s32 $execute0_lowered;
	[smem:$0x3FD2] =	sst s23  }
0xa5: {  	s5 =	sshll.u32 s24, $0x1;
	_ =	strace $0x80000046;
	[dreg:$0x1] =	wrdreg $0xFFFFFFFF  }
0xa6: {  	s25 =	simm.s32 $_size_execute0_lowered;
	s3 =	sadd.s32 s3, s5;
	[dreg:$0x0] =	wrdreg $0x0  }
0xa7: {  	s5 =	sshll.u32 s25, $0x1;
	[dreg:$0x2] =	wrdreg s3  }
0xa8: {  	[dreg:$0x3] =	wrdreg s5  }
0xa9: {  	[dreg:$0x4] =	wrdreg $0xC0  }
0xaa: {  	_ =	task [dreg:s7], $0x5FFFF  }
0xab: {  	[dreg:$0x1] =	wrdreg $0xFFFFFFFF  }
0xac: {  	[dreg:$0x0] =	wrdreg $0x60  }
0xad: {  	[dreg:$0x2] =	wrdreg s2  }
0xae: {  	[dreg:$0x3] =	wrdreg s0  }
0xaf: {  	[dreg:$0x4] =	wrdreg s16  }
0xb0: {  	[dreg:$0x5] =	wrdreg s22  }
0xb1: {  	[dreg:$0x6] =	wrdreg $0x9  }
0xb2: {  	_ =	task.clear_ibuf [dreg:s7], $0x7FFFF;
	_ =	strace $0x90000046  }
0xb3: {  	s26 =	simm.s32 $0x9;
	_ =	strace $0x80000048  }
0xb4: {  	_ =	swait.ge [sflag:s26], $0x1  }
0xb5: {  	[sflag:s26] =	ssyncadd.s32 $0xFFFFFFFF  }
0xb6: {  	_ =	strace $0x90000048  }
0xb7: {  	_ =	sfence  }
0xb8: {  	s28 =	sld [smem:$0x0];
	_ =	sdelay $0x1  }
0xb9: {  	s29 =	srdreg.scid  }
0xba: {  	s30 =	sshll.u32 s29, $0xD;
	s31 =	sshrl.u32 s29, $0x2  }
0xbb: {  	s1 =	sand.u32 $0x1, s29;
	s2 =	sand.u32 $0x4000, s30;
	s0 =	sadd.s32 s31, s28  }
0xbc: {  	s1 =	sor.u32 s2, s1;
	s0 =	sshll.u32 s0, $0x11  }
0xbd: {  	s0 =	sor.u32 s0, s1  }
0xbe: {  	s0 =	sadd.s32 $0x8F2B, s0  }
0xbf: {  	[sflag:s0] =	ssyncadd.remote.s32 $0x1  }
0xc0: {  	_ =	sfence.sel $0xFFFF  }
0xc1: {  	[dreg:$0x0] =	wrdreg $0xFFFFFFFF;
	(pc) =	sbr.abs _section_cstart, $3  }
0xc2: {  	[dreg:$0x1] =	wrdreg $0xFFFFFFFF  }
0xc3: {  	_ =	task.clear_ibuf [dreg:s7], $0x2FFFF;
	_ =	strace $0x9FFFFFFF  }
0xc4: {  	(tm) =	ssettm $0x7FFFFFFF  }
0xc5: {  	_ =	shalt  }
tec
execute0_lowered:
.L_overlay_start_1:
0x0: {  	(tag) =	ssettag $0x1  }
0x1: {  	s7 =	rddreg [dreg:$0x0]  }
0x2: {  	s8 =	rddreg [dreg:$0x1]  }
0x3: {  	s9 =	rddreg [dreg:$0x2];
	s1 =	stileid.u32  }
0x4: {  	s3 =	rddreg [dreg:$0x3];
	s2 =	smul.u32 $0x6800, s1  }
0x5: {  	s0 =	rddreg [dreg:$0x4];
	s10 =	simm.s32 $0x0  }
0x6: {  	s4 =	simm.s32 $0x180;
	[smem:$0x7FF] =	sst s10;
	s6 =	sshrl.u32 s2, $0x3  }
0x7: {  	_ =	strace $0x80000047;
	s2 =	sadd.s32 s7, s6;
	s5 =	sadd.s32 $0x340, s6  }
0x8: {  	[tilespmem:s4], [sflag:$0x2] =	stream.linear.gather [hbm4b:s2+s10], $0x1A00, $0x38;
	[tilespmem:$0xD180] =	vst v63  }
0x9: {  	s11 =	simm.s32 $0x1B80;
	s24 =	sadd.s32 s7, s5;
	s4 =	sadd.s32 $0x680, s6  }
0xa: {  	[tilespmem:s11], [sflag:$0x3] =	stream.linear.gather [hbm4b:s24+s10], $0x1A00, $0x38;
	[tilespmem:$0xD180] =	vst v63  }
0xb: {  	s12 =	simm.s32 $0x3580;
	s2 =	sadd.s32 $0x9C0, s6;
	s25 =	sadd.s32 s7, s4  }
0xc: {  	[tilespmem:s12], [sflag:$0x4] =	stream.linear.gather [hbm4b:s25+s10], $0x1A00, $0x38;
	[tilespmem:$0xD180] =	vst v63  }
0xd: {  	s26 =	simm.s32 $0x4F80;
	s7 =	sadd.s32 s7, s2  }
0xe: {  	[tilespmem:s26], [sflag:$0x5] =	stream.linear.gather [hbm4b:s7+s10], $0x1A00, $0x38;
	[tilespmem:$0xD180] =	vst v63  }
0xf: {  	_ = 	snop  }
0x10: {  	[tilespmem:s10], [sflag:$0x1] =	stream.linear.gather [hbm4b:s8+s10], $0x80, $0x38;
	[tilespmem:$0xD180] =	vst v63  }
0x11: {  	s28 =	simm.s32 $0x80;
	s29 =	simm.s32 $0x1  }
0x12: {  	[tilespmem:s28], [sflag:$0x1] =	stream.linear.gather [hbm4b:s9+s10], $0x80, $0x38;
	[tilespmem:$0xD180] =	vst v63  }
0x13: {  	_ =	swait.ge [sflag:s29], $0x80  }
0x14: {  	[sflag:s29] =	ssyncset.done $0x0  }
0x15: {  	[sflag:s29] =	ssyncadd.s32 $0xFFFFFF80  }
0x16: {  	_ =	swait.ge [sflag:s29], $0x80  }
0x17: {  	[sflag:s29] =	ssyncset.done $0x0  }
0x18: {  	[sflag:s29] =	ssyncadd.s32 $0xFFFFFF80  }
0x19: {  	v0 =	vld [tilespmem:$0x80];
	_ =	sdelay $0x2  }
0x1a: {  	v1 =	vld [tilespmem:$0x0];
	_ =	sdelay $0x3  }
0x1b: {  	s7 =	simm.s32 $0x100  }
0x1c: {  	[tilespmem:v0+s7+$0x0] =	vst.idx.msk $0xffff, v1  }
0x1d: {  	v0 =	vld [tilespmem:$0x90];
	_ =	sdelay $0x2  }
0x1e: {  	v1 =	vld [tilespmem:$0x10];
	_ =	sdelay $0x4  }
0x1f: {  	[tilespmem:v0+s7+$0x0] =	vst.idx.msk $0xffff, v1  }
0x20: {  	v0 =	vld [tilespmem:$0xA0];
	_ =	sdelay $0x2  }
0x21: {  	v1 =	vld [tilespmem:$0x20];
	_ =	sdelay $0x4  }
0x22: {  	[tilespmem:v0+s7+$0x0] =	vst.idx.msk $0xffff, v1  }
0x23: {  	v0 =	vld [tilespmem:$0xB0];
	_ =	sdelay $0x2  }
0x24: {  	v1 =	vld [tilespmem:$0x30];
	_ =	sdelay $0x4  }
0x25: {  	[tilespmem:v0+s7+$0x0] =	vst.idx.msk $0xffff, v1  }
0x26: {  	v0 =	vld [tilespmem:$0xC0];
	_ =	sdelay $0x2  }
0x27: {  	v1 =	vld [tilespmem:$0x40];
	_ =	sdelay $0x4  }
0x28: {  	[tilespmem:v0+s7+$0x0] =	vst.idx.msk $0xffff, v1  }
0x29: {  	v0 =	vld [tilespmem:$0xD0];
	_ =	sdelay $0x2  }
0x2a: {  	v1 =	vld [tilespmem:$0x50];
	_ =	sdelay $0x4  }
0x2b: {  	[tilespmem:v0+s7+$0x0] =	vst.idx.msk $0xffff, v1  }
0x2c: {  	v0 =	vld [tilespmem:$0xD4];
	_ =	sdelay $0x2  }
0x2d: {  	v1 =	vld [tilespmem:$0x54];
	_ =	sdelay $0x4  }
0x2e: {  	s30 =	simm.s32 $0x2;
	[tilespmem:v0+s7+$0x0] =	vst.idx.msk $0xffff, v1  }
0x2f: {  	_ =	swait.ge [sflag:s30], $0x1A00  }
0x30: {  	[sflag:s30] =	ssyncset.done $0x0  }
0x31: {  	s31 =	simm.s32 $0x1C0;
	[sflag:s30] =	ssyncadd.s32 $0xFFFFE600  }
0x32: {  	v0 =	vld [tilespmem:s31+$0x30]  }
0x33: {  	v1 =	vld [tilespmem:s31+$0xFFFFFFD0]  }
0x34: {  	v2 =	vld [tilespmem:s31+$0xFFFFFFE0]  }
0x35: {  	v3 =	vld [tilespmem:s31+$0xFFFFFFF0]  }
0x36: {  	v5 =	vld [tilespmem:s31+$0x0]  }
0x37: {  	v6 =	vld [tilespmem:s31+$0x10]  }
0x38: {  	v7 =	vld [tilespmem:s31+$0x20]  }
0x39: {  	v8 =	vld [tilespmem:s31+$0xFFFFFFC0]  }
0x3a: {  	v9 =	vld.idx.msk [tilespmem:v0+s7+$0x0], $0xffff  }
0x3b: {  	v10 =	vld.idx.msk [tilespmem:v1+s7+$0x0], $0xffff  }
0x3c: {  	v4 =	vld.idx.msk [tilespmem:v2+s7+$0x0], $0xffff  }
0x3d: {  	v3 =	vld.idx.msk [tilespmem:v3+s7+$0x0], $0xffff  }
0x3e: {  	v0 =	vld.idx.msk [tilespmem:v5+s7+$0x0], $0xffff  }
0x3f: {  	s8 =	simm.s32 $0x69C0;
	v1 =	vld.idx.msk [tilespmem:v6+s7+$0x0], $0xffff  }
0x40: {  	v2 =	vld.idx.msk [tilespmem:v7+s7+$0x0], $0xffff;
	[tilespmem:s8+$0x30] =	vst v9  }
0x41: {  	s3 =	sadd.s32 $0x400, s3;
	s9 =	simm.s32 $0x0;
	s10 =	simm.s32 $0x240;
	v5 =	vld.idx.msk [tilespmem:v8+s7+$0x0], $0xffff;
	[tilespmem:s8+$0xFFFFFFD0] =	vst v10  }
.LBB2_1:
0x42: {  	v6 =	vld [tilespmem:s10+$0x30];
	s9 =	sadd.s32 $0x80, s9;
	[tilespmem:s8+$0xFFFFFFE0] =	vst v4  }
0x43: {  	v4 =	vld [tilespmem:s10+$0xFFFFFFD0];
	p0 =	slt.u32 s9, $0x1980;
	[tilespmem:s8+$0xFFFFFFF0] =	vst v3  }
0x44: {  	v3 =	vld [tilespmem:s10+$0xFFFFFFE0];
	[tilespmem:s8+$0x0] =	vst v0  }
0x45: {  	v0 =	vld [tilespmem:s10+$0xFFFFFFF0];
	[tilespmem:s8+$0x10] =	vst v1  }
0x46: {  	v1 =	vld [tilespmem:s10+$0x0];
	[tilespmem:s8+$0x20] =	vst v2  }
0x47: {  	v2 =	vld [tilespmem:s10+$0x10];
	[tilespmem:s8+$0xFFFFFFC0] =	vst v5  }
0x48: {  	v5 =	vld [tilespmem:s10+$0x20]  }
0x49: {  	v7 =	vld [tilespmem:s10+$0xFFFFFFC0]  }
0x4a: {  	v6 =	vld.idx.msk [tilespmem:v6+s7+$0x0], $0xffff  }
0x4b: {  	v8 =	vld.idx.msk [tilespmem:v4+s7+$0x0], $0xffff  }
0x4c: {  	v4 =	vld.idx.msk [tilespmem:v3+s7+$0x0], $0xffff  }
.Ltmp0:
0x4d: {  	v3 =	vld.idx.msk [tilespmem:v0+s7+$0x0], $0xffff;
	(pc) =	sbr.rel @p0 .LBB2_1-.Ltmp0, $4  }
0x4e: {  	v0 =	vld.idx.msk [tilespmem:v1+s7+$0x0], $0xffff  }
0x4f: {  	s8 =	sadd.s32 $0x80, s8;
	v1 =	vld.idx.msk [tilespmem:v2+s7+$0x0], $0xffff  }
0x50: {  	v2 =	vld.idx.msk [tilespmem:v5+s7+$0x0], $0xffff;
	[tilespmem:s8+$0x30] =	vst v6  }
0x51: {  	s10 =	sadd.s32 $0x80, s10;
	v5 =	vld.idx.msk [tilespmem:v7+s7+$0x0], $0xffff;
	[tilespmem:s8+$0xFFFFFFD0] =	vst v8  }
0x52: {  	[tilespmem:s8+$0xFFFFFFE0] =	vst v4  }
0x53: {  	[tilespmem:s8+$0xFFFFFFF0] =	vst v3  }
0x54: {  	[tilespmem:s8+$0x0] =	vst v0  }
0x55: {  	[tilespmem:s8+$0x10] =	vst v1  }
0x56: {  	s6 =	sadd.s32 s3, s6;
	[tilespmem:s8+$0x20] =	vst v2  }
0x57: {  	s7 =	simm.s32 $0x0;
	s29 =	simm.s32 $0x6980;
	s30 =	simm.s32 $0x3;
	[tilespmem:s8+$0xFFFFFFC0] =	vst v5  }
0x58: {  	[hbm4b:s6+s7] =	stream.linear.scatter [tilespmem:s29], [sflag:$0x6], $0x1A00, $0x38;
	[tilespmem:$0xD180] =	vst v63  }
0x59: {  	_ =	swait.ge [sflag:s30], $0x1A00  }
0x5a: {  	[sflag:s30] =	ssyncset.done $0x0  }
0x5b: {  	s31 =	simm.s32 $0x1BF0;
	[sflag:s30] =	ssyncadd.s32 $0xFFFFE600  }
0x5c: {  	v0 =	vld [tilespmem:s31+$0x0]  }
0x5d: {  	v1 =	vld [tilespmem:s31+$0xFFFFFFA0]  }
0x5e: {  	v2 =	vld [tilespmem:s31+$0xFFFFFFB0]  }
0x5f: {  	v3 =	vld [tilespmem:s31+$0xFFFFFFC0]  }
0x60: {  	v4 =	vld [tilespmem:s31+$0xFFFFFFD0]  }
0x61: {  	v6 =	vld [tilespmem:s31+$0xFFFFFFE0]  }
0x62: {  	v7 =	vld [tilespmem:s31+$0xFFFFFFF0]  }
0x63: {  	s6 =	simm.s32 $0x100;
	v8 =	vld [tilespmem:s31+$0xFFFFFF90]  }
0x64: {  	v9 =	vld.idx.msk [tilespmem:v0+s6+$0x0], $0xffff  }
0x65: {  	v10 =	vld.idx.msk [tilespmem:v1+s6+$0x0], $0xffff  }
0x66: {  	v5 =	vld.idx.msk [tilespmem:v2+s6+$0x0], $0xffff  }
0x67: {  	v3 =	vld.idx.msk [tilespmem:v3+s6+$0x0], $0xffff  }
0x68: {  	v0 =	vld.idx.msk [tilespmem:v4+s6+$0x0], $0xffff  }
0x69: {  	s7 =	simm.s32 $0x83F0;
	v1 =	vld.idx.msk [tilespmem:v6+s6+$0x0], $0xffff  }
0x6a: {  	v2 =	vld.idx.msk [tilespmem:v7+s6+$0x0], $0xffff;
	[tilespmem:s7+$0x0] =	vst v9  }
0x6b: {  	s9 =	simm.s32 $0x1C70;
	s8 =	simm.s32 $0x1A00;
	v4 =	vld.idx.msk [tilespmem:v8+s6+$0x0], $0xffff;
	[tilespmem:s7+$0xFFFFFFA0] =	vst v10  }
.LBB2_3:
0x6c: {  	v6 =	vld [tilespmem:s9+$0x0];
	s8 =	sadd.s32 $0x80, s8;
	[tilespmem:s7+$0xFFFFFFB0] =	vst v5  }
0x6d: {  	v5 =	vld [tilespmem:s9+$0xFFFFFFA0];
	p0 =	slt.u32 s8, $0x3380;
	[tilespmem:s7+$0xFFFFFFC0] =	vst v3  }
0x6e: {  	v3 =	vld [tilespmem:s9+$0xFFFFFFB0];
	[tilespmem:s7+$0xFFFFFFD0] =	vst v0  }
0x6f: {  	v0 =	vld [tilespmem:s9+$0xFFFFFFC0];
	[tilespmem:s7+$0xFFFFFFE0] =	vst v1  }
0x70: {  	v1 =	vld [tilespmem:s9+$0xFFFFFFD0];
	[tilespmem:s7+$0xFFFFFFF0] =	vst v2  }
0x71: {  	v2 =	vld [tilespmem:s9+$0xFFFFFFE0];
	[tilespmem:s7+$0xFFFFFF90] =	vst v4  }
0x72: {  	v4 =	vld [tilespmem:s9+$0xFFFFFFF0]  }
0x73: {  	v7 =	vld [tilespmem:s9+$0xFFFFFF90]  }
0x74: {  	v6 =	vld.idx.msk [tilespmem:v6+s6+$0x0], $0xffff  }
0x75: {  	v8 =	vld.idx.msk [tilespmem:v5+s6+$0x0], $0xffff  }
0x76: {  	v5 =	vld.idx.msk [tilespmem:v3+s6+$0x0], $0xffff  }
.Ltmp1:
0x77: {  	v3 =	vld.idx.msk [tilespmem:v0+s6+$0x0], $0xffff;
	(pc) =	sbr.rel @p0 .LBB2_3-.Ltmp1, $4  }
0x78: {  	v0 =	vld.idx.msk [tilespmem:v1+s6+$0x0], $0xffff  }
0x79: {  	s7 =	sadd.s32 $0x80, s7;
	v1 =	vld.idx.msk [tilespmem:v2+s6+$0x0], $0xffff  }
0x7a: {  	v2 =	vld.idx.msk [tilespmem:v4+s6+$0x0], $0xffff;
	[tilespmem:s7+$0x0] =	vst v6  }
0x7b: {  	s9 =	sadd.s32 $0x80, s9;
	v4 =	vld.idx.msk [tilespmem:v7+s6+$0x0], $0xffff;
	[tilespmem:s7+$0xFFFFFFA0] =	vst v8  }
0x7c: {  	[tilespmem:s7+$0xFFFFFFB0] =	vst v5  }
0x7d: {  	[tilespmem:s7+$0xFFFFFFC0] =	vst v3  }
0x7e: {  	[tilespmem:s7+$0xFFFFFFD0] =	vst v0  }
0x7f: {  	[tilespmem:s7+$0xFFFFFFE0] =	vst v1  }
0x80: {  	s5 =	sadd.s32 s3, s5;
	[tilespmem:s7+$0xFFFFFFF0] =	vst v2  }
0x81: {  	s6 =	simm.s32 $0x0;
	s29 =	simm.s32 $0x8380;
	s30 =	simm.s32 $0x4;
	[tilespmem:s7+$0xFFFFFF90] =	vst v4  }
0x82: {  	[hbm4b:s5+s6] =	stream.linear.scatter [tilespmem:s29], [sflag:$0x7], $0x1A00, $0x38;
	[tilespmem:$0xD180] =	vst v63  }
0x83: {  	_ =	swait.ge [sflag:s30], $0x1A00  }
0x84: {  	[sflag:s30] =	ssyncset.done $0x0  }
0x85: {  	s31 =	simm.s32 $0x35F0;
	[sflag:s30] =	ssyncadd.s32 $0xFFFFE600  }
0x86: {  	v0 =	vld [tilespmem:s31+$0x0]  }
0x87: {  	v1 =	vld [tilespmem:s31+$0xFFFFFFA0]  }
0x88: {  	v2 =	vld [tilespmem:s31+$0xFFFFFFB0]  }
0x89: {  	v3 =	vld [tilespmem:s31+$0xFFFFFFC0]  }
0x8a: {  	v4 =	vld [tilespmem:s31+$0xFFFFFFD0]  }
0x8b: {  	v6 =	vld [tilespmem:s31+$0xFFFFFFE0]  }
0x8c: {  	v7 =	vld [tilespmem:s31+$0xFFFFFFF0]  }
0x8d: {  	s5 =	simm.s32 $0x100;
	v8 =	vld [tilespmem:s31+$0xFFFFFF90]  }
0x8e: {  	v9 =	vld.idx.msk [tilespmem:v0+s5+$0x0], $0xffff  }
0x8f: {  	v10 =	vld.idx.msk [tilespmem:v1+s5+$0x0], $0xffff  }
0x90: {  	v5 =	vld.idx.msk [tilespmem:v2+s5+$0x0], $0xffff  }
0x91: {  	v3 =	vld.idx.msk [tilespmem:v3+s5+$0x0], $0xffff  }
0x92: {  	v0 =	vld.idx.msk [tilespmem:v4+s5+$0x0], $0xffff  }
0x93: {  	s6 =	simm.s32 $0x9DF0;
	v1 =	vld.idx.msk [tilespmem:v6+s5+$0x0], $0xffff  }
0x94: {  	v2 =	vld.idx.msk [tilespmem:v7+s5+$0x0], $0xffff;
	[tilespmem:s6+$0x0] =	vst v9  }
0x95: {  	s8 =	simm.s32 $0x3670;
	s7 =	simm.s32 $0x3400;
	v4 =	vld.idx.msk [tilespmem:v8+s5+$0x0], $0xffff;
	[tilespmem:s6+$0xFFFFFFA0] =	vst v10  }
.LBB2_5:
0x96: {  	v6 =	vld [tilespmem:s8+$0x0];
	s7 =	sadd.s32 $0x80, s7;
	[tilespmem:s6+$0xFFFFFFB0] =	vst v5  }
0x97: {  	v5 =	vld [tilespmem:s8+$0xFFFFFFA0];
	p0 =	slt.u32 s7, $0x4D80;
	[tilespmem:s6+$0xFFFFFFC0] =	vst v3  }
0x98: {  	v3 =	vld [tilespmem:s8+$0xFFFFFFB0];
	[tilespmem:s6+$0xFFFFFFD0] =	vst v0  }
0x99: {  	v0 =	vld [tilespmem:s8+$0xFFFFFFC0];
	[tilespmem:s6+$0xFFFFFFE0] =	vst v1  }
0x9a: {  	v1 =	vld [tilespmem:s8+$0xFFFFFFD0];
	[tilespmem:s6+$0xFFFFFFF0] =	vst v2  }
0x9b: {  	v2 =	vld [tilespmem:s8+$0xFFFFFFE0];
	[tilespmem:s6+$0xFFFFFF90] =	vst v4  }
0x9c: {  	v4 =	vld [tilespmem:s8+$0xFFFFFFF0]  }
0x9d: {  	v7 =	vld [tilespmem:s8+$0xFFFFFF90]  }
0x9e: {  	v6 =	vld.idx.msk [tilespmem:v6+s5+$0x0], $0xffff  }
0x9f: {  	v8 =	vld.idx.msk [tilespmem:v5+s5+$0x0], $0xffff  }
0xa0: {  	v5 =	vld.idx.msk [tilespmem:v3+s5+$0x0], $0xffff  }
.Ltmp2:
0xa1: {  	v3 =	vld.idx.msk [tilespmem:v0+s5+$0x0], $0xffff;
	(pc) =	sbr.rel @p0 .LBB2_5-.Ltmp2, $4  }
0xa2: {  	v0 =	vld.idx.msk [tilespmem:v1+s5+$0x0], $0xffff  }
0xa3: {  	s6 =	sadd.s32 $0x80, s6;
	v1 =	vld.idx.msk [tilespmem:v2+s5+$0x0], $0xffff  }
0xa4: {  	v2 =	vld.idx.msk [tilespmem:v4+s5+$0x0], $0xffff;
	[tilespmem:s6+$0x0] =	vst v6  }
0xa5: {  	s8 =	sadd.s32 $0x80, s8;
	v4 =	vld.idx.msk [tilespmem:v7+s5+$0x0], $0xffff;
	[tilespmem:s6+$0xFFFFFFA0] =	vst v8  }
0xa6: {  	[tilespmem:s6+$0xFFFFFFB0] =	vst v5  }
0xa7: {  	[tilespmem:s6+$0xFFFFFFC0] =	vst v3  }
0xa8: {  	[tilespmem:s6+$0xFFFFFFD0] =	vst v0  }
0xa9: {  	[tilespmem:s6+$0xFFFFFFE0] =	vst v1  }
0xaa: {  	s4 =	sadd.s32 s3, s4;
	[tilespmem:s6+$0xFFFFFFF0] =	vst v2  }
0xab: {  	s5 =	simm.s32 $0x0;
	s30 =	simm.s32 $0x9D80;
	s31 =	simm.s32 $0x5;
	[tilespmem:s6+$0xFFFFFF90] =	vst v4  }
0xac: {  	[hbm4b:s4+s5] =	stream.linear.scatter [tilespmem:s30], [sflag:$0x8], $0x1A00, $0x38;
	[tilespmem:$0xD180] =	vst v63  }
0xad: {  	_ =	swait.ge [sflag:s31], $0x1A00  }
0xae: {  	[sflag:s31] =	ssyncset.done $0x0  }
0xaf: {  	s4 =	simm.s32 $0x0;
	[sflag:s31] =	ssyncadd.s32 $0xFFFFE600  }
0xb0: {  	v1 =	vld [tilespmem:s4+$0x4FF0]  }
0xb1: {  	v2 =	vld [tilespmem:s4+$0x4F80]  }
0xb2: {  	v3 =	vld [tilespmem:s4+$0x4F90]  }
0xb3: {  	v4 =	vld [tilespmem:s4+$0x4FA0]  }
0xb4: {  	v7 =	vld [tilespmem:s4+$0x4FB0]  }
0xb5: {  	v8 =	vld [tilespmem:s4+$0x4FC0]  }
0xb6: {  	v9 =	vld [tilespmem:s4+$0x4FD0]  }
0xb7: {  	s5 =	simm.s32 $0x100;
	v0 =	vld [tilespmem:s4+$0x4FE0]  }
0xb8: {  	v10 =	vld.idx.msk [tilespmem:v1+s5+$0x0], $0xffff  }
0xb9: {  	v6 =	vld.idx.msk [tilespmem:v2+s5+$0x0], $0xffff  }
0xba: {  	v5 =	vld.idx.msk [tilespmem:v3+s5+$0x0], $0xffff  }
0xbb: {  	v4 =	vld.idx.msk [tilespmem:v4+s5+$0x0], $0xffff  }
0xbc: {  	v3 =	vld.idx.msk [tilespmem:v7+s5+$0x0], $0xffff  }
0xbd: {  	v1 =	vld.idx.msk [tilespmem:v8+s5+$0x0], $0xffff  }
0xbe: {  	s7 =	simm.s32 $0x200;
	s6 =	simm.s32 $0x4E00;
	v2 =	vld.idx.msk [tilespmem:v9+s5+$0x0], $0xffff;
	[tilespmem:s4+$0xB7F0] =	vst v10  }
.LBB2_7:
0xbf: {  	s8 =	sshra.s32 s7, $0x2;
	s6 =	sadd.s32 $0x80, s6;
	[tilespmem:s4+$0xB780] =	vst v6;
	v0 =	vld.idx.msk [tilespmem:v0+s5+$0x0], $0xffff  }
0xc0: {  	v6 =	vld [tilespmem:s8+$0x4FF0];
	p0 =	slt.u32 s6, $0x6780;
	[tilespmem:s4+$0xB790] =	vst v5  }
0xc1: {  	v5 =	vld [tilespmem:s8+$0x4F80];
	[tilespmem:s4+$0xB7A0] =	vst v4  }
0xc2: {  	v4 =	vld [tilespmem:s8+$0x4F90];
	[tilespmem:s4+$0xB7B0] =	vst v3  }
0xc3: {  	v3 =	vld [tilespmem:s8+$0x4FA0];
	[tilespmem:s4+$0xB7C0] =	vst v1  }
0xc4: {  	v1 =	vld [tilespmem:s8+$0x4FB0];
	[tilespmem:s4+$0xB7D0] =	vst v2  }
0xc5: {  	v2 =	vld [tilespmem:s8+$0x4FC0];
	[tilespmem:s4+$0xB7E0] =	vst v0;
	s4 =	smov.u32 s8  }
0xc6: {  	v7 =	vld [tilespmem:s4+$0x4FD0]  }
0xc7: {  	v0 =	vld [tilespmem:s4+$0x4FE0]  }
0xc8: {  	v8 =	vld.idx.msk [tilespmem:v6+s5+$0x0], $0xffff  }
0xc9: {  	v6 =	vld.idx.msk [tilespmem:v5+s5+$0x0], $0xffff  }
.Ltmp3:
0xca: {  	v5 =	vld.idx.msk [tilespmem:v4+s5+$0x0], $0xffff;
	(pc) =	sbr.rel @p0 .LBB2_7-.Ltmp3, $4  }
0xcb: {  	v4 =	vld.idx.msk [tilespmem:v3+s5+$0x0], $0xffff  }
0xcc: {  	v3 =	vld.idx.msk [tilespmem:v1+s5+$0x0], $0xffff  }
0xcd: {  	v1 =	vld.idx.msk [tilespmem:v2+s5+$0x0], $0xffff  }
0xce: {  	s7 =	sadd.s32 $0x200, s7;
	v2 =	vld.idx.msk [tilespmem:v7+s5+$0x0], $0xffff;
	[tilespmem:s4+$0xB7F0] =	vst v8  }
0xcf: {  	_ =	sdelay $0x2  }
0xd0: {  	[tilespmem:s4+$0xB780] =	vst v6  }
0xd1: {  	v0 =	vld.idx.msk [tilespmem:v0+s5+$0x0], $0xffff;
	[tilespmem:s4+$0xB790] =	vst v5  }
0xd2: {  	[tilespmem:s4+$0xB7A0] =	vst v4  }
0xd3: {  	[tilespmem:s4+$0xB7B0] =	vst v3  }
0xd4: {  	[tilespmem:s4+$0xB7C0] =	vst v1  }
0xd5: {  	s2 =	sadd.s32 s3, s2;
	[tilespmem:s4+$0xB7D0] =	vst v2  }
0xd6: {  	s25 =	simm.s32 $0x0;
	s26 =	simm.s32 $0xB780;
	s28 =	simm.s32 $0x6;
	[tilespmem:s4+$0xB7E0] =	vst v0  }
0xd7: {  	[hbm4b:s2+s25] =	stream.linear.scatter [tilespmem:s26], [sflag:$0x9], $0x1A00, $0x38;
	[tilespmem:$0xD180] =	vst v63  }
0xd8: {  	_ =	swait.ge [sflag:s28], $0x1A00  }
0xd9: {  	[sflag:s28] =	ssyncset.done $0x0  }
0xda: {  	s29 =	simm.s32 $0x7;
	[sflag:s28] =	ssyncadd.s32 $0xFFFFE600  }
0xdb: {  	_ =	swait.ge [sflag:s29], $0x1A00  }
0xdc: {  	[sflag:s29] =	ssyncset.done $0x0  }
0xdd: {  	s30 =	simm.s32 $0x8;
	[sflag:s29] =	ssyncadd.s32 $0xFFFFE600  }
0xde: {  	_ =	swait.ge [sflag:s30], $0x1A00  }
0xdf: {  	[sflag:s30] =	ssyncset.done $0x0  }
0xe0: {  	s31 =	simm.s32 $0x9;
	[sflag:s30] =	ssyncadd.s32 $0xFFFFE600  }
0xe1: {  	_ =	swait.ge [sflag:s31], $0x1A00  }
0xe2: {  	[sflag:s31] =	ssyncset.done $0x0  }
0xe3: {  	[sflag:s31] =	ssyncadd.s32 $0xFFFFE600  }
0xe4: {  	_ =	sfence.sel $0x180000  }
0xe5: {  	[bflag:$0x0] =	sbarrier.arrive $0xFFFF  }
0xe6: {  	p0 =	sne.s32 s1, $0x0;
	_ =	strace $0x90000047  }
0xe7: {  	s0 =	sadd.s32 @!p0 $0x100000, s0;
	[bflag:$0x2] =	sbarrier.arrive $0xFFFF  }
0xe8: {  	[sflag:s0] =	ssyncadd.tile.s32 @!p0 $0x1;
	_ =	shalt  }
.Lfunc_end2:
_tile_overlayer_lowered:
.L_overlay_start_2:
0xe9: {  	(tag) =	ssettag $0x2  }
0xea: {  	s0 =	rddreg [dreg:$0x0];
	s2 =	stileid.u32  }
0xeb: {  	s1 =	rddreg [dreg:$0x1];
	p0 =	sne.s32 s2, $0x0  }
0xec: {  	s3 =	rddreg [dreg:$0x2];
	[bflag:$0x3] =	sbarrier.arrive $0xFFFF;
	s2 =	simm.s32 @!p0 $0x1C0A  }
0xed: {  	[timem:s3], [sflag:s2] =	dma.local @!p0 [hbm:s0], s1  }
0xee: {  	s0 =	simm.s32 @!p0 $0xA  }
0xef: {  	_ =	swait.ge @!p0 [sflag:s0], s1  }
0xf0: {  	s1 =	ssub.s32 @!p0 $0x0, s1;
	[sflag:s0] =	ssyncset.done @!p0 $0x0  }
0xf1: {  	[sflag:s0] =	ssyncadd.s32 @!p0 s1  }
0xf2: {  	[bflag:$0x3] =	sbarrier.arrive $0xFFFF  }
0xf3: {  	_ =	shalt  }

</sc_bundles>
